<compile_context>
chip_gen: v7x
topology: tpu7x:2x2x1
jax: 0.10.2.dev20260603
libtpu: 0.0.44.dev20260713+nightly
codegen_flags: <defaults>
</compile_context>

<pallas_src>
import functools

import jax
import jax.numpy as jnp
from jax import lax
from jax.experimental import pallas as pl
from jax.experimental.pallas import tpu as pltpu
from jax.experimental.pallas import tpu_sc as plsc

N = 10000
NP = 10240
E = 160000
IN_DIM = 256
HID = 512
CH = 128

NC = 2
NS = 16
EB = 125
EP = 160000
ROWS_T = NP // NS

R = 512
GI = NP // R

_MESH = dict(core_axis_name="c", subcore_axis_name="s", num_cores=NC,
             num_subcores=NS)


DW = 128


def _deg_body(ei_hbm, ones_hbm, zeros_hbm, out_hbm, idx_v, ones_v, acc_sh,
              sem):
    c = lax.axis_index("c")
    s = lax.axis_index("s")
    pltpu.sync_copy(ones_hbm, ones_v)
    pltpu.sync_copy(ei_hbm.at[1].at[s].at[c], idx_v)
    rows = pl.ds(s * ROWS_T, ROWS_T)
    pltpu.sync_copy(zeros_hbm, acc_sh.at[rows])
    plsc.subcore_barrier()

    def step(j, carry):
        pltpu.async_copy(ones_v, acc_sh.at[idx_v.at[j]], sem, add=True)
        return carry

    lax.fori_loop(0, EP // (NC * NS * EB), step, 0)

    def drain(j, carry):
        pltpu.make_async_copy(ones_v, acc_sh.at[idx_v.at[j]], sem).wait()
        return carry

    lax.fori_loop(0, EP // (NC * NS * EB), drain, 0)
    plsc.subcore_barrier()
    pltpu.sync_copy(acc_sh.at[rows], out_hbm.at[c].at[rows])


@jax.jit
def _deg_call(ei, ones, zeros):
    return pl.kernel(
        _deg_body,
        out_type=jax.ShapeDtypeStruct((NC, NP, DW), jnp.float32),
        mesh=plsc.VectorSubcoreMesh(**_MESH),
        scratch_types=[
            pltpu.VMEM((EP // (NC * NS * EB), EB), jnp.int32),
            pltpu.VMEM((EB, DW), jnp.float32),
            pltpu.VMEM_SHARED((NP, DW), jnp.float32),
            pltpu.SemaphoreType.DMA,
        ],
    )(ei, ones, zeros)


NBUF = 2
NH = 2
NB = EP // (NS * NH * EB)


def _agg_body(ei_hbm, g_hbm, out_hbm, src_v, dst_v, bufs, acc_sh,
              sem_g, sem_s, *, nch):
    c = lax.axis_index("c")
    s = lax.axis_index("s")
    per_core = nch // NC
    rows = pl.ds(s * ROWS_T, ROWS_T)
    for k in range(per_core):
        ch = c * per_core + k
        g_chunk = g_hbm.at[ch]
        pltpu.sync_copy(g_chunk.at[rows], acc_sh.at[rows])
        plsc.subcore_barrier()

        def issue_g(j, b):
            pltpu.async_copy(g_chunk.at[src_v.at[j]], bufs.at[b], sem_g.at[b])

        def wait_g(j, b):
            pltpu.make_async_copy(
                g_chunk.at[src_v.at[j]], bufs.at[b], sem_g.at[b]).wait()

        def issue_s(j, b):
            pltpu.async_copy(bufs.at[b], acc_sh.at[dst_v.at[j]], sem_s.at[b],
                             add=True)

        def wait_s(j, b):
            pltpu.make_async_copy(
                bufs.at[b], acc_sh.at[dst_v.at[j]], sem_s.at[b]).wait()

        for h in range(NH):
            pltpu.sync_copy(ei_hbm.at[0].at[s].at[h], src_v)
            pltpu.sync_copy(ei_hbm.at[1].at[s].at[h], dst_v)
            issue_g(0, 0)
            wait_g(0, 0); issue_s(0, 0); issue_g(1, 1)
            wait_s(0, 0); issue_g(2, 0); wait_g(1, 1); issue_s(1, 1)
            wait_s(1, 1); issue_g(3, 1); wait_g(2, 0); issue_s(2, 0)

            def slots(j2, carry):
                for u in range(2):
                    j = j2 * 2 + u + 3
                    b, bn = (u + 1) % 2, u % 2
                    wait_s(j - 1, bn)
                    issue_g(j + 1, bn)
                    wait_g(j, b)
                    issue_s(j, b)
                return carry

            lax.fori_loop(0, (NB - 4) // 2, slots, 0)

            j = NB - 1
            wait_s(j - 1, j % 2 ^ 1)
            wait_g(j, j % 2)
            issue_s(j, j % 2)
            wait_s(j, j % 2)
        plsc.subcore_barrier()
        pltpu.sync_copy(acc_sh.at[rows], out_hbm.at[ch].at[rows])
        plsc.subcore_barrier()


def _make_agg(nch):
    @jax.jit
    def call(ei, g):
        return pl.kernel(
            functools.partial(_agg_body, nch=nch),
            out_type=jax.ShapeDtypeStruct((nch, NP, CH), jnp.float32),
            mesh=plsc.VectorSubcoreMesh(**_MESH),
            scratch_types=[
                pltpu.VMEM((NB, EB), jnp.int32),
                pltpu.VMEM((NB, EB), jnp.int32),
                pltpu.VMEM((NBUF, EB, CH), jnp.float32),
                pltpu.VMEM_SHARED((NP, CH), jnp.float32),
                pltpu.SemaphoreType.DMA((NBUF,)),
                pltpu.SemaphoreType.DMA((NBUF,)),
            ],
        )(ei, g)

    return call


_agg2_call = _make_agg(2)
_agg4_call = _make_agg(4)


def _pre_body(deg_ref, x_ref, g_ref):
    d = deg_ref[0] + deg_ref[1] + 1.0
    dinv = lax.rsqrt(d)[:, None]
    g_ref[0] = x_ref[:, :CH] * dinv
    g_ref[1] = x_ref[:, CH:] * dinv


@jax.jit
def _pre_call(deg2, x):
    return pl.pallas_call(
        _pre_body,
        grid=(GI,),
        in_specs=[
            pl.BlockSpec((NC, R), lambda i: (0, i)),
            pl.BlockSpec((R, IN_DIM), lambda i: (i, 0)),
        ],
        out_specs=pl.BlockSpec((2, R, CH), lambda i: (0, i, 0)),
        out_shape=jax.ShapeDtypeStruct((2, NP, CH), jnp.float32),
    )(deg2, x)


def _layer_body(acc_ref, w_ref, deg_ref, b_ref, out_ref, *, kc, oc, emit_g):
    m = jnp.dot(acc_ref[0], w_ref[0], preferred_element_type=jnp.float32)
    for k in range(1, kc):
        m += jnp.dot(acc_ref[k], w_ref[k], preferred_element_type=jnp.float32)
    d = deg_ref[0] + deg_ref[1] + 1.0
    dinv = lax.rsqrt(d)[:, None]
    h = jnp.maximum(dinv * m + b_ref[0], 0.0)
    if emit_g:
        h = dinv * h
        for c in range(oc):
            out_ref[c] = h[:, c * CH:(c + 1) * CH]
    else:
        out_ref[...] = h


def _make_layer(kc, oc, emit_g):
    out_shape = (jax.ShapeDtypeStruct((oc, NP, CH), jnp.float32) if emit_g
                 else jax.ShapeDtypeStruct((N, oc * CH), jnp.float32))
    out_spec = (pl.BlockSpec((oc, R, CH), lambda i: (0, i, 0)) if emit_g
                else pl.BlockSpec((R, oc * CH), lambda i: (i, 0)))

    @jax.jit
    def call(acc, wr, deg2, br):
        return pl.pallas_call(
            functools.partial(_layer_body, kc=kc, oc=oc, emit_g=emit_g),
            grid=(GI,),
            in_specs=[
                pl.BlockSpec((kc, R, CH), lambda i: (0, i, 0)),
                pl.BlockSpec((kc, CH, oc * CH), lambda i: (0, 0, 0)),
                pl.BlockSpec((NC, R), lambda i: (0, i)),
                pl.BlockSpec((1, oc * CH), lambda i: (0, 0)),
            ],
            out_specs=out_spec,
            out_shape=out_shape,
        )(acc, wr, deg2, br)

    return call


_l1_call = _make_layer(kc=2, oc=4, emit_g=True)
_l2_call = _make_layer(kc=4, oc=4, emit_g=False)


def kernel(x, edge_index, W1, b1, W2, b2):
    ei = jnp.pad(edge_index.astype(jnp.int32), ((0, 0), (0, EP - E)),
                 constant_values=NP - 1).reshape(2, NS, NH, NB, EB)

    ones = jnp.ones((EB, DW), jnp.float32)
    zeros = jnp.zeros((ROWS_T, DW), jnp.float32)

    degp = _deg_call(ei, ones, zeros)
    deg2 = degp[:, :, 0]

    g1 = _pre_call(deg2, x)
    a1 = _agg2_call(ei, g1)
    g2 = _l1_call(a1, W1.reshape(2, CH, HID), deg2,
                  b1.reshape(1, HID))
    a2 = _agg4_call(ei, g2)
    out = _l2_call(a2, W2.reshape(4, CH, HID), deg2,
                   b2.reshape(1, HID))
    return out

# --- scband reference (transcript-rebuilt; emitter-appended) ---
"""Pipeline reference for scband-spgcl-77146202571446 (READ-ONLY COPY).

The authoritative reference and input builder live on the scoring server;
editing this copy changes nothing except your own understanding.
"""

import jax, jax.numpy as jnp
import numpy as np

NUM_NODES = 10000
IN_DIM = 256
HID = 512
NUM_EDGES = 160000


def setup_inputs(seed: int = 0) -> dict:
    key = jax.random.key(seed)
    k_x, k_ei, k_w1, k_b1, k_w2, k_b2 = jax.random.split(key, 6)
    x = jax.random.normal(k_x, (NUM_NODES, IN_DIM), dtype=jnp.float32)
    edge_index = jax.random.randint(k_ei, (2, NUM_EDGES), 0, NUM_NODES, dtype=jnp.int64)
    # GCNConv linear weights (glorot-style scaling)
    W1 = jax.random.normal(k_w1, (IN_DIM, HID), dtype=jnp.float32) * (1.0 / np.sqrt(IN_DIM))
    b1 = jnp.zeros((HID,), dtype=jnp.float32)
    W2 = jax.random.normal(k_w2, (HID, HID), dtype=jnp.float32) * (1.0 / np.sqrt(HID))
    b2 = jnp.zeros((HID,), dtype=jnp.float32)
    return {"x": x, "edge_index": edge_index, "W1": W1, "b1": b1, "W2": W2, "b2": b2}


def _gcn_conv(x, edge_index, W, b, num_nodes):
    # linear transform
    h = x @ W
    src = edge_index[0]
    dst = edge_index[1]
    # add self loops
    loop = jnp.arange(num_nodes, dtype=src.dtype)
    src = jnp.concatenate([src, loop])
    dst = jnp.concatenate([dst, loop])
    # symmetric normalization deg^-1/2 A deg^-1/2 (deg counted on dst, GCN default)
    deg = jnp.zeros((num_nodes,), dtype=h.dtype).at[dst].add(1.0)
    dinv = jnp.where(deg > 0, deg ** -0.5, 0.0)
    norm = dinv[src] * dinv[dst]
    msg = h[src] * norm[:, None]
    out = jnp.zeros((num_nodes, h.shape[1]), dtype=h.dtype).at[dst].add(msg)
    return out + b


def reference(x, edge_index, W1, b1, W2, b2):
    # GNN_Encoder.forward with encoder_layer_num=2, no_bn=True, dropout=0 (eval)
    n = x.shape[0]
    h = _gcn_conv(x, edge_index, W1, b1, n)
    h = jax.nn.relu(h)
    h = _gcn_conv(h, edge_index, W2, b2, n)
    h = jax.nn.relu(h)
    return h

if __name__ == "__main__":
    import jax
    _d = setup_inputs()
    print(jax.jit(kernel)(*tuple(_d.values())))

</pallas_src>

<mosaic_0001>
#map = affine_map<(d0, d1) -> (0, 0, 0, 0, 0)>
#map1 = affine_map<(d0, d1) -> (0, 0)>
#map2 = affine_map<(d0, d1) -> (0, 0, 0)>
module attributes {stable_mosaic.version = 14 : i64} {
  func.func @_deg_body(%arg0: i32, %arg1: i32, %arg2: memref<2x16x2x40x125xi32, #tpu.memory_space<hbm>>, %arg3: memref<125x128xf32, #tpu.memory_space<hbm>>, %arg4: memref<640x128xf32, #tpu.memory_space<hbm>>, %arg5: memref<2x10240x128xf32, #tpu.memory_space<hbm>>, %arg6: memref<40x125xi32, #tpu.memory_space<vmem>>, %arg7: memref<125x128xf32, #tpu.memory_space<vmem>>, %arg8: memref<10240x128xf32, #tpu.memory_space<vmem_shared>>, %arg9: memref<!tpu.dma_semaphore, #tpu.memory_space<semaphore_mem>>) attributes {dimension_semantics = [#tpu.dimension_semantics<core_parallel>, #tpu.dimension_semantics<subcore_parallel>], iteration_bounds = array<i64: 2, 16>, scalar_prefetch = 0 : i64, scratch_operands = 4 : i64, tpu.core_type = #tpu.core_type<sc_vector_subcore>, window_params = [{transform_indices = #map}, {transform_indices = #map1}, {transform_indices = #map1}, {transform_indices = #map2}]} {
    "tpu.region"() ({
      %run_scoped3A_13 = tpu.sem_alloc : memref<!tpu.dma_semaphore, #tpu.memory_space<semaphore_mem>>
      tpu.enqueue_dma source(%arg3 : memref<125x128xf32, #tpu.memory_space<hbm>>) target(%arg7 : memref<125x128xf32, #tpu.memory_space<vmem>>) target_semaphore(%run_scoped3A_13 : memref<!tpu.dma_semaphore, #tpu.memory_space<semaphore_mem>>)
      tpu.wait_dma2 semaphore(%run_scoped3A_13 : memref<!tpu.dma_semaphore, #tpu.memory_space<semaphore_mem>>) src(%arg3 : memref<125x128xf32, #tpu.memory_space<hbm>>) dst(%arg7 : memref<125x128xf32, #tpu.memory_space<vmem>>)
      tpu.yield
    }) : () -> ()
    %run_scoped3A = arith.constant 1 : i32
    "tpu.region"() ({
      %run_scoped3A_13 = tpu.sem_alloc : memref<!tpu.dma_semaphore, #tpu.memory_space<semaphore_mem>>
      %dma_start3A = arith.constant 0 : i32
      %dma_start3A_14 = arith.constant 0 : i32
      %dma_start3A_15 = arith.constant 0 : i32
      %dma_start3A_16 = arith.constant 0 : i32
      %dma_start3A_17 = tpu.memref_slice %arg2[%run_scoped3A, %dma_start3A, %dma_start3A_14, %dma_start3A_15, %dma_start3A_16] : memref<2x16x2x40x125xi32, #tpu.memory_space<hbm>> -> memref<1x16x2x40x125xi32, #tpu.memory_space<hbm>>
      %dma_start3A_18 = tpu.memref_squeeze %dma_start3A_17 : memref<1x16x2x40x125xi32, #tpu.memory_space<hbm>> -> memref<16x2x40x125xi32, #tpu.memory_space<hbm>>
      %dma_start3A_19 = arith.constant 0 : i32
      %dma_start3A_20 = arith.constant 0 : i32
      %dma_start3A_21 = arith.constant 0 : i32
      %dma_start3A_22 = tpu.memref_slice %dma_start3A_18[%arg1, %dma_start3A_19, %dma_start3A_20, %dma_start3A_21] : memref<16x2x40x125xi32, #tpu.memory_space<hbm>> -> memref<1x2x40x125xi32, #tpu.memory_space<hbm>>
      %dma_start3A_23 = tpu.memref_squeeze %dma_start3A_22 : memref<1x2x40x125xi32, #tpu.memory_space<hbm>> -> memref<2x40x125xi32, #tpu.memory_space<hbm>>
      %dma_start3A_24 = arith.constant 0 : i32
      %dma_start3A_25 = arith.constant 0 : i32
      %dma_start3A_26 = tpu.memref_slice %dma_start3A_23[%arg0, %dma_start3A_24, %dma_start3A_25] : memref<2x40x125xi32, #tpu.memory_space<hbm>> -> memref<1x40x125xi32, #tpu.memory_space<hbm>>
      %dma_start3A_27 = tpu.memref_squeeze %dma_start3A_26 : memref<1x40x125xi32, #tpu.memory_space<hbm>> -> memref<40x125xi32, #tpu.memory_space<hbm>>
      %dma_start3A_28 = arith.constant 0 : i32
      %dma_start3A_29 = arith.constant 0 : i32
      %dma_start3A_30 = arith.constant 0 : i32
      %dma_start3A_31 = arith.constant 0 : i32
      %dma_start3A_32 = tpu.memref_slice %arg2[%run_scoped3A, %dma_start3A_28, %dma_start3A_29, %dma_start3A_30, %dma_start3A_31] : memref<2x16x2x40x125xi32, #tpu.memory_space<hbm>> -> memref<1x16x2x40x125xi32, #tpu.memory_space<hbm>>
      %dma_start3A_33 = tpu.memref_squeeze %dma_start3A_32 : memref<1x16x2x40x125xi32, #tpu.memory_space<hbm>> -> memref<16x2x40x125xi32, #tpu.memory_space<hbm>>
      %dma_start3A_34 = arith.constant 0 : i32
      %dma_start3A_35 = arith.constant 0 : i32
      %dma_start3A_36 = arith.constant 0 : i32
      %dma_start3A_37 = tpu.memref_slice %dma_start3A_33[%arg1, %dma_start3A_34, %dma_start3A_35, %dma_start3A_36] : memref<16x2x40x125xi32, #tpu.memory_space<hbm>> -> memref<1x2x40x125xi32, #tpu.memory_space<hbm>>
      %dma_start3A_38 = tpu.memref_squeeze %dma_start3A_37 : memref<1x2x40x125xi32, #tpu.memory_space<hbm>> -> memref<2x40x125xi32, #tpu.memory_space<hbm>>
      %dma_start3A_39 = arith.constant 0 : i32
      %dma_start3A_40 = arith.constant 0 : i32
      %dma_start3A_41 = tpu.memref_slice %dma_start3A_38[%arg0, %dma_start3A_39, %dma_start3A_40] : memref<2x40x125xi32, #tpu.memory_space<hbm>> -> memref<1x40x125xi32, #tpu.memory_space<hbm>>
      %dma_start3A_42 = tpu.memref_squeeze %dma_start3A_41 : memref<1x40x125xi32, #tpu.memory_space<hbm>> -> memref<40x125xi32, #tpu.memory_space<hbm>>
      tpu.enqueue_dma source(%dma_start3A_42 : memref<40x125xi32, #tpu.memory_space<hbm>>) target(%arg6 : memref<40x125xi32, #tpu.memory_space<vmem>>) target_semaphore(%run_scoped3A_13 : memref<!tpu.dma_semaphore, #tpu.memory_space<semaphore_mem>>)
      %dma_wait3A = arith.constant 0 : i32
      %dma_wait3A_43 = arith.constant 0 : i32
      %dma_wait3A_44 = arith.constant 0 : i32
      %dma_wait3A_45 = arith.constant 0 : i32
      %dma_wait3A_46 = tpu.memref_slice %arg2[%run_scoped3A, %dma_wait3A, %dma_wait3A_43, %dma_wait3A_44, %dma_wait3A_45] : memref<2x16x2x40x125xi32, #tpu.memory_space<hbm>> -> memref<1x16x2x40x125xi32, #tpu.memory_space<hbm>>
      %dma_wait3A_47 = tpu.memref_squeeze %dma_wait3A_46 : memref<1x16x2x40x125xi32, #tpu.memory_space<hbm>> -> memref<16x2x40x125xi32, #tpu.memory_space<hbm>>
      %dma_wait3A_48 = arith.constant 0 : i32
      %dma_wait3A_49 = arith.constant 0 : i32
      %dma_wait3A_50 = arith.constant 0 : i32
      %dma_wait3A_51 = tpu.memref_slice %dma_wait3A_47[%arg1, %dma_wait3A_48, %dma_wait3A_49, %dma_wait3A_50] : memref<16x2x40x125xi32, #tpu.memory_space<hbm>> -> memref<1x2x40x125xi32, #tpu.memory_space<hbm>>
      %dma_wait3A_52 = tpu.memref_squeeze %dma_wait3A_51 : memref<1x2x40x125xi32, #tpu.memory_space<hbm>> -> memref<2x40x125xi32, #tpu.memory_space<hbm>>
      %dma_wait3A_53 = arith.constant 0 : i32
      %dma_wait3A_54 = arith.constant 0 : i32
      %dma_wait3A_55 = tpu.memref_slice %dma_wait3A_52[%arg0, %dma_wait3A_53, %dma_wait3A_54] : memref<2x40x125xi32, #tpu.memory_space<hbm>> -> memref<1x40x125xi32, #tpu.memory_space<hbm>>
      %dma_wait3A_56 = tpu.memref_squeeze %dma_wait3A_55 : memref<1x40x125xi32, #tpu.memory_space<hbm>> -> memref<40x125xi32, #tpu.memory_space<hbm>>
      %dma_wait3A_57 = arith.constant 0 : i32
      %dma_wait3A_58 = arith.constant 0 : i32
      %dma_wait3A_59 = arith.constant 0 : i32
      %dma_wait3A_60 = arith.constant 0 : i32
      %dma_wait3A_61 = tpu.memref_slice %arg2[%run_scoped3A, %dma_wait3A_57, %dma_wait3A_58, %dma_wait3A_59, %dma_wait3A_60] : memref<2x16x2x40x125xi32, #tpu.memory_space<hbm>> -> memref<1x16x2x40x125xi32, #tpu.memory_space<hbm>>
      %dma_wait3A_62 = tpu.memref_squeeze %dma_wait3A_61 : memref<1x16x2x40x125xi32, #tpu.memory_space<hbm>> -> memref<16x2x40x125xi32, #tpu.memory_space<hbm>>
      %dma_wait3A_63 = arith.constant 0 : i32
      %dma_wait3A_64 = arith.constant 0 : i32
      %dma_wait3A_65 = arith.constant 0 : i32
      %dma_wait3A_66 = tpu.memref_slice %dma_wait3A_62[%arg1, %dma_wait3A_63, %dma_wait3A_64, %dma_wait3A_65] : memref<16x2x40x125xi32, #tpu.memory_space<hbm>> -> memref<1x2x40x125xi32, #tpu.memory_space<hbm>>
      %dma_wait3A_67 = tpu.memref_squeeze %dma_wait3A_66 : memref<1x2x40x125xi32, #tpu.memory_space<hbm>> -> memref<2x40x125xi32, #tpu.memory_space<hbm>>
      %dma_wait3A_68 = arith.constant 0 : i32
      %dma_wait3A_69 = arith.constant 0 : i32
      %dma_wait3A_70 = tpu.memref_slice %dma_wait3A_67[%arg0, %dma_wait3A_68, %dma_wait3A_69] : memref<2x40x125xi32, #tpu.memory_space<hbm>> -> memref<1x40x125xi32, #tpu.memory_space<hbm>>
      %dma_wait3A_71 = tpu.memref_squeeze %dma_wait3A_70 : memref<1x40x125xi32, #tpu.memory_space<hbm>> -> memref<40x125xi32, #tpu.memory_space<hbm>>
      tpu.wait_dma2 semaphore(%run_scoped3A_13 : memref<!tpu.dma_semaphore, #tpu.memory_space<semaphore_mem>>) src(%dma_wait3A_71 : memref<40x125xi32, #tpu.memory_space<hbm>>) dst(%arg6 : memref<40x125xi32, #tpu.memory_space<vmem>>)
      tpu.yield
    }) : () -> ()
    %mul3A = arith.constant 640 : i32
    %mul3A_0 = arith.muli %arg1, %mul3A : i32
    "tpu.region"() ({
      %run_scoped3A_13 = tpu.sem_alloc : memref<!tpu.dma_semaphore, #tpu.memory_space<semaphore_mem>>
      %dma_start3A = arith.constant 0 : i32
      %dma_start3A_14 = tpu.memref_slice %arg8[%mul3A_0, %dma_start3A] : memref<10240x128xf32, #tpu.memory_space<vmem_shared>> -> memref<640x128xf32, #tpu.memory_space<vmem_shared>>
      tpu.enqueue_dma source(%arg4 : memref<640x128xf32, #tpu.memory_space<hbm>>) target(%dma_start3A_14 : memref<640x128xf32, #tpu.memory_space<vmem_shared>>) target_semaphore(%run_scoped3A_13 : memref<!tpu.dma_semaphore, #tpu.memory_space<semaphore_mem>>)
      %dma_wait3A = arith.constant 0 : i32
      %dma_wait3A_15 = tpu.memref_slice %arg8[%mul3A_0, %dma_wait3A] : memref<10240x128xf32, #tpu.memory_space<vmem_shared>> -> memref<640x128xf32, #tpu.memory_space<vmem_shared>>
      tpu.wait_dma2 semaphore(%run_scoped3A_13 : memref<!tpu.dma_semaphore, #tpu.memory_space<semaphore_mem>>) src(%arg4 : memref<640x128xf32, #tpu.memory_space<hbm>>) dst(%dma_wait3A_15 : memref<640x128xf32, #tpu.memory_space<vmem_shared>>)
      tpu.yield
    }) : () -> ()
    %barrier3A = arith.constant 0 : index
    tpu.barrier barrier_id(%barrier3A)
    %scan3A = arith.constant 0 : i32
    %scan3A_1 = arith.constant 0 : i32
    %scan3A_2 = arith.constant 40 : i32
    %scan3A_3 = arith.addi %scan3A_1, %scan3A_2 : i32
    %scan3A_4 = arith.constant 1 : i32
    scf.for %scan3A_13 = %scan3A_1 to %scan3A_3 step %scan3A_4  : i32 {
      %dma_start3A = arith.constant 0 : i32
      %dma_start3A_14 = tpu.memref_slice %arg6[%scan3A_13, %dma_start3A] : memref<40x125xi32, #tpu.memory_space<vmem>> -> memref<1x125xi32, #tpu.memory_space<vmem>>
      %dma_start3A_15 = tpu.memref_squeeze %dma_start3A_14 : memref<1x125xi32, #tpu.memory_space<vmem>> -> memref<125xi32, #tpu.memory_space<vmem>>
      %dma_start3A_16 = arith.constant 0 : i32
      %dma_start3A_17 = arith.constant 0 : i32
      %dma_start3A_18 = tpu.memref_slice %arg8[%dma_start3A_16, %dma_start3A_17] : memref<10240x128xf32, #tpu.memory_space<vmem_shared>> -> memref<10240x128xf32, #tpu.memory_space<vmem_shared>>
      tpu.enqueue_indirect_dma source(%arg7 : memref<125x128xf32, #tpu.memory_space<vmem>>) target(%dma_start3A_18 : memref<10240x128xf32, #tpu.memory_space<vmem_shared>>) offsets(%dma_start3A_15 : memref<125xi32, #tpu.memory_space<vmem>>) semaphore(%arg9 : memref<!tpu.dma_semaphore, #tpu.memory_space<semaphore_mem>>) {add = true}
    }
    %scan3A_5 = arith.constant 40 : i32
    %scan3A_6 = arith.constant 0 : i32
    %scan3A_7 = arith.constant 0 : i32
    %scan3A_8 = arith.constant 40 : i32
    %scan3A_9 = arith.addi %scan3A_7, %scan3A_8 : i32
    %scan3A_10 = arith.constant 1 : i32
    scf.for %scan3A_13 = %scan3A_7 to %scan3A_9 step %scan3A_10  : i32 {
      %dma_wait3A = arith.constant 0 : i32
      %dma_wait3A_14 = tpu.memref_slice %arg6[%scan3A_13, %dma_wait3A] : memref<40x125xi32, #tpu.memory_space<vmem>> -> memref<1x125xi32, #tpu.memory_space<vmem>>
      %dma_wait3A_15 = tpu.memref_squeeze %dma_wait3A_14 : memref<1x125xi32, #tpu.memory_space<vmem>> -> memref<125xi32, #tpu.memory_space<vmem>>
      %dma_wait3A_16 = arith.constant 0 : i32
      %dma_wait3A_17 = arith.constant 0 : i32
      %dma_wait3A_18 = tpu.memref_slice %arg8[%dma_wait3A_16, %dma_wait3A_17] : memref<10240x128xf32, #tpu.memory_space<vmem_shared>> -> memref<10240x128xf32, #tpu.memory_space<vmem_shared>>
      tpu.wait_indirect_dma semaphore(%arg9 : memref<!tpu.dma_semaphore, #tpu.memory_space<semaphore_mem>>) src(%arg7 : memref<125x128xf32, #tpu.memory_space<vmem>>) dst(%dma_wait3A_18 : memref<10240x128xf32, #tpu.memory_space<vmem_shared>>)
    }
    %scan3A_11 = arith.constant 40 : i32
    %barrier3A_12 = arith.constant 0 : index
    tpu.barrier barrier_id(%barrier3A_12)
    "tpu.region"() ({
      %run_scoped3A_13 = tpu.sem_alloc : memref<!tpu.dma_semaphore, #tpu.memory_space<semaphore_mem>>
      %dma_start3A = arith.constant 0 : i32
      %dma_start3A_14 = arith.constant 0 : i32
      %dma_start3A_15 = tpu.memref_slice %arg5[%arg0, %dma_start3A, %dma_start3A_14] : memref<2x10240x128xf32, #tpu.memory_space<hbm>> -> memref<1x10240x128xf32, #tpu.memory_space<hbm>>
      %dma_start3A_16 = tpu.memref_squeeze %dma_start3A_15 : memref<1x10240x128xf32, #tpu.memory_space<hbm>> -> memref<10240x128xf32, #tpu.memory_space<hbm>>
      %dma_start3A_17 = arith.constant 0 : i32
      %dma_start3A_18 = tpu.memref_slice %dma_start3A_16[%mul3A_0, %dma_start3A_17] : memref<10240x128xf32, #tpu.memory_space<hbm>> -> memref<640x128xf32, #tpu.memory_space<hbm>>
      %dma_start3A_19 = arith.constant 0 : i32
      %dma_start3A_20 = tpu.memref_slice %arg8[%mul3A_0, %dma_start3A_19] : memref<10240x128xf32, #tpu.memory_space<vmem_shared>> -> memref<640x128xf32, #tpu.memory_space<vmem_shared>>
      tpu.enqueue_dma source(%dma_start3A_20 : memref<640x128xf32, #tpu.memory_space<vmem_shared>>) target(%dma_start3A_18 : memref<640x128xf32, #tpu.memory_space<hbm>>) target_semaphore(%run_scoped3A_13 : memref<!tpu.dma_semaphore, #tpu.memory_space<semaphore_mem>>)
      %dma_wait3A = arith.constant 0 : i32
      %dma_wait3A_21 = arith.constant 0 : i32
      %dma_wait3A_22 = tpu.memref_slice %arg5[%arg0, %dma_wait3A, %dma_wait3A_21] : memref<2x10240x128xf32, #tpu.memory_space<hbm>> -> memref<1x10240x128xf32, #tpu.memory_space<hbm>>
      %dma_wait3A_23 = tpu.memref_squeeze %dma_wait3A_22 : memref<1x10240x128xf32, #tpu.memory_space<hbm>> -> memref<10240x128xf32, #tpu.memory_space<hbm>>
      %dma_wait3A_24 = arith.constant 0 : i32
      %dma_wait3A_25 = tpu.memref_slice %dma_wait3A_23[%mul3A_0, %dma_wait3A_24] : memref<10240x128xf32, #tpu.memory_space<hbm>> -> memref<640x128xf32, #tpu.memory_space<hbm>>
      %dma_wait3A_26 = arith.constant 0 : i32
      %dma_wait3A_27 = tpu.memref_slice %arg8[%mul3A_0, %dma_wait3A_26] : memref<10240x128xf32, #tpu.memory_space<vmem_shared>> -> memref<640x128xf32, #tpu.memory_space<vmem_shared>>
      tpu.wait_dma2 semaphore(%run_scoped3A_13 : memref<!tpu.dma_semaphore, #tpu.memory_space<semaphore_mem>>) src(%dma_wait3A_27 : memref<640x128xf32, #tpu.memory_space<vmem_shared>>) dst(%dma_wait3A_25 : memref<640x128xf32, #tpu.memory_space<hbm>>)
      tpu.yield
    }) : () -> ()
    return
  }
}

</mosaic_0001>

<sc_bundles>
// kernel: _deg_call.3.cloned.1.call-start
scs
__scs_entry_jumppad:
0x0: {  	(pc) =	sbr.rel $0x88, $3  }
0x1: {  	(tag) =	ssettag $0x0;
	lr =	simm.s32 $0x1  }
0x2: {  	[smem:$0x3F9E] =	sst lr;
	_ =	strace $0xD0000000  }
0x3: {  	_ = 	snop  }
0x4: {  	_ = 	snop  }
0x5: {  	_ = 	snop  }
0x6: {  	_ = 	snop  }
0x7: {  	_ = 	snop  }
__scs_overlays_trampoline_lowered:
0x8: {  	[smem:$0x3FAD] =	sst s0  }
0x9: {  	[smem:$0x3FAE] =	sst s1  }
0xa: {  	[smem:$0x3FAF] =	sst s2  }
0xb: {  	[smem:$0x3FB0] =	sst s3  }
0xc: {  	[smem:$0x3FB1] =	sst s4  }
0xd: {  	[smem:$0x3FB2] =	sst s5  }
0xe: {  	[smem:$0x3FB3] =	sst s6  }
0xf: {  	[smem:$0x3FB4] =	sst s7  }
0x10: {  	[smem:$0x3FB5] =	sst s8  }
0x11: {  	[smem:$0x3FB6] =	sst s9;
	s0 =	simm.s32 @!p0 $0x0  }
0x12: {  	s1 =	sld [smem:$0x3F9C];
	s0 =	simm.s32 @p0 $0x1  }
0x13: {  	[smem:$0x3FB7] =	sst s0;
	s0 =	simm.s32 @!p1 $0x0  }
0x14: {  	s2 =	sld [smem:$0x3F9B];
	s0 =	simm.s32 @p1 $0x1  }
0x15: {  	[smem:$0x3FB8] =	sst s0;
	s0 =	simm.s32 @!p2 $0x0  }
0x16: {  	s3 =	sld [smem:$0x3FDB];
	s0 =	simm.s32 @p2 $0x1  }
0x17: {  	s4 =	simm.s32 $0x1BF5;
	[smem:$0x3FBA] =	sst s0  }
0x18: {  	s0 =	sld [smem:$0x3F9D];
	_ =	swait.ge [sflag:s4], $0x0  }
0x19: {  	s7 =	sld [smem:$0x3F9E]  }
0x1a: {  	s8 =	sadd.s32 $0xFFFFE003, lr  }
0x1b: {  	s9 =	sadd.s32 $0xFFFFFEF7, lr;
	s5 =	simm.s32 $0xFFFFFFFF;
	p2 =	slt.u32 s8, $0xFFFFF086  }
0x1c: {  	p1 =	slt.u32 s9, $0xF7A;
	s5 =	simm.s32 @!p2 $0x0  }
0x1d: {  	s5 =	simm.s32 @p1 $0x1;
	p0 =	seq.s32 s7, s2  }
0x1e: {  	s7 =	smul.u32 @!p0 $0xF7A, s2;
	p2 =	seq.s32 @!p0 s5, $0x0  }
0x1f: {  	s9 =	smul.u32 $0xF7A, s1;
	s8 =	simm.s32 @!p0 $0x1BF5;
	p2 =	por !p2, p0  }
0x20: {  	[sflag:s8] =	ssyncset.s32 @!p0 $0xFFFFF086;
	s6 =	sadd.s32 @!p0 s3, s7;
	s7 =	simm.s32 @!p0 $0x108  }
0x21: {  	s3 =	sadd.s32 s3, s9;
	s6 =	sadd.s32 @!p0 $0x88, s6;
	s7 =	simm.s32 @p2 $0x1082  }
0x22: {  	[simem:s7], [sflag:s8] =	dma.local @!p0 [hbm:s6], $0xF7A  }
0x23: {  	s9 =	sor.u32 $0xD0000000, s2;
	s6 =	simm.s32 $0x108;
	_ =	swait.ge @!p0 [sflag:s8], $0x0  }
0x24: {  	s3 =	sadd.s32 $0x88, s3;
	s6 =	simm.s32 @!p1 $0x1082;
	[sflag:s4] =	ssyncset.s32 $0xFFFFF086  }
0x25: {  	[simem:s6], [sflag:s4] =	dma.local [hbm:s3], $0xF7A  }
0x26: {  	[smem:$0x3F9E] =	sst s1;
	(tag) =	ssettag s2;
	_ =	strace s9  }
0x27: {  	s1 =	sld [smem:$0x3FAE]  }
0x28: {  	s2 =	sld [smem:$0x3FAF]  }
0x29: {  	s4 =	sld [smem:$0x3FB1]  }
0x2a: {  	p0 =	seq.s32 s5, $0x0;
	s5 =	sld [smem:$0x3FB2]  }
0x2b: {  	s6 =	sld [smem:$0x3FB3]  }
0x2c: {  	s7 =	sld [smem:$0x3FB4]  }
0x2d: {  	s3 =	simm.s32 $0x108;
	s8 =	sld [smem:$0x3FB5]  }
0x2e: {  	s3 =	simm.s32 @!p0 $0x1082;
	s9 =	sld [smem:$0x3FB6]  }
0x2f: {  	lr =	sadd.s32 s0, s3;
	s0 =	sld [smem:$0x3FAD]  }
0x30: {  	s3 =	sld [smem:$0x3FB0]  }
0x31: {  	[smem:$0x3FB9] =	sst s10  }
0x32: {  	s10 =	sld [smem:$0x3FB7];
	_ =	sdelay $0x3  }
0x33: {  	p0 =	seq.s32 s10, $0x1;
	s10 =	sld [smem:$0x3FB9];
	_ =	sdelay $0x3  }
0x34: {  	[smem:$0x3FB9] =	sst s10  }
0x35: {  	s10 =	sld [smem:$0x3FB8];
	_ =	sdelay $0x3  }
0x36: {  	p1 =	seq.s32 s10, $0x1;
	s10 =	sld [smem:$0x3FB9];
	_ =	sdelay $0x3  }
0x37: {  	[smem:$0x3FB9] =	sst s10  }
0x38: {  	s10 =	sld [smem:$0x3FBA]  }
0x39: {  	_ = 	snop;
	(pc) =	sbr.ind lr, $3  }
0x3a: {  	_ = 	snop  }
0x3b: {  	_ = 	snop  }
0x3c: {  	p2 =	seq.s32 s10, $0x1;
	s10 =	sld [smem:$0x3FB9]  }
0x3d: {  	_ =	shalt  }
0x3e: {  	_ =	shalt  }
0x3f: {  	_ =	shalt  }
0x40: {  	_ =	shalt  }
0x41: {  	_ =	shalt  }
0x42: {  	_ =	shalt  }
0x43: {  	_ =	shalt  }
0x44: {  	_ =	shalt  }
0x45: {  	_ =	shalt  }
0x46: {  	_ =	shalt  }
0x47: {  	_ =	shalt  }
0x48: {  	_ =	shalt  }
0x49: {  	_ =	shalt  }
0x4a: {  	_ =	shalt  }
0x4b: {  	_ =	shalt  }
0x4c: {  	_ =	shalt  }
0x4d: {  	_ =	shalt  }
0x4e: {  	_ =	shalt  }
0x4f: {  	_ =	shalt  }
0x50: {  	_ =	shalt  }
0x51: {  	_ =	shalt  }
0x52: {  	_ =	shalt  }
0x53: {  	_ =	shalt  }
0x54: {  	_ =	shalt  }
0x55: {  	_ =	shalt  }
0x56: {  	_ =	shalt  }
0x57: {  	_ =	shalt  }
0x58: {  	_ =	shalt  }
0x59: {  	_ =	shalt  }
0x5a: {  	_ =	shalt  }
0x5b: {  	_ =	shalt  }
0x5c: {  	_ =	shalt  }
0x5d: {  	_ =	shalt  }
0x5e: {  	_ =	shalt  }
0x5f: {  	_ =	shalt  }
0x60: {  	_ =	shalt  }
0x61: {  	_ =	shalt  }
0x62: {  	_ =	shalt  }
0x63: {  	_ =	shalt  }
0x64: {  	_ =	shalt  }
0x65: {  	_ =	shalt  }
0x66: {  	_ =	shalt  }
0x67: {  	_ =	shalt  }
0x68: {  	_ =	shalt  }
0x69: {  	_ =	shalt  }
0x6a: {  	_ =	shalt  }
0x6b: {  	_ =	shalt  }
0x6c: {  	_ =	shalt  }
0x6d: {  	_ =	shalt  }
0x6e: {  	_ =	shalt  }
0x6f: {  	_ =	shalt  }
0x70: {  	_ =	shalt  }
0x71: {  	_ =	shalt  }
0x72: {  	_ =	shalt  }
0x73: {  	_ =	shalt  }
0x74: {  	_ =	shalt  }
0x75: {  	_ =	shalt  }
0x76: {  	_ =	shalt  }
0x77: {  	_ =	shalt  }
0x78: {  	_ =	shalt  }
0x79: {  	_ =	shalt  }
0x7a: {  	_ =	shalt  }
0x7b: {  	_ =	shalt  }
0x7c: {  	_ =	shalt  }
0x7d: {  	_ =	shalt  }
0x7e: {  	_ =	shalt  }
0x7f: {  	_ =	shalt  }
0x80: {  	_ =	shalt  }
0x81: {  	_ =	shalt  }
0x82: {  	_ =	shalt  }
0x83: {  	_ =	shalt  }
0x84: {  	_ =	shalt  }
0x85: {  	_ =	shalt  }
0x86: {  	_ =	shalt  }
0x87: {  	_ =	shalt  }
.Lfunc_end0:
.L_simem_size_0:
called_computation_lowered:
.L_overlay_start_0:
0x88: {  	s2 =	sld [smem:$0x3FD9]  }
0x89: {  	s3 =	sld [smem:$0x3FFE];
	_ =	sdelay $0x1  }
0x8a: {  	s1 =	srdreg.scid  }
0x8b: {  	s0 =	sand.u32 $0x1, s1  }
0x8c: {  	s18 =	sshll.u32 s0, $0xA;
	s2 =	sadd.s32 s3, s2  }
0x8d: {  	s2 =	sadd.s32 s2, s18  }
0x8e: {  	[smem:$0x3FC5] =	sst s2  }
0x8f: {  	_ = 	snop  }
0x90: {  	s2 =	sld [smem:$0x3FC9]  }
0x91: {  	s19 =	sld [smem:$0x3FC8]  }
0x92: {  	s4 =	sld [smem:$0x3FC7]  }
0x93: {  	s5 =	sld [smem:$0x3FD0];
	(tm) =	ssettm $0x1  }
0x94: {  	s6 =	sld [smem:$0x3FFB];
	_ =	sdelay $0x3  }
0x95: {  	_ =	strace s6  }
0x96: {  	s6 =	sld [smem:$0x3FFC];
	_ =	sdelay $0x3  }
0x97: {  	_ =	strace s6  }
0x98: {  	s6 =	sld [smem:$0x3FFD];
	_ =	sdelay $0x3  }
0x99: {  	_ =	strace s6  }
0x9a: {  	_ =	strace $0x8FFFFFFF  }
0x9b: {  	s20 =	sld [smem:$0x3FDB];
	_ =	sdelay $0x1  }
0x9c: {  	s7 =	simm.s32 $_scs_section_size  }
0x9d: {  	s8 =	simm.s32 $_size__tile_overlayer_lowered;
	s9 =	simm.s32 $_tile_overlayer_lowered  }
0x9e: {  	s23 =	simm.s32 $0x1BFF;
	s22 =	sshll.u32 s9, $0x1;
	s6 =	sadd.s32 s7, s20  }
0x9f: {  	s10 =	simm.s32 $0x0;
	s21 =	sshll.u32 s8, $0x1;
	s8 =	sadd.s32 s22, s6  }
0xa0: {  	[timem:s10], [sflag:s23] =	dma.local [hbm:s8], s21  }
0xa1: {  	_ =	swait.ge [sflag:s23], s21  }
0xa2: {  	s7 =	ssub.s32 $0x0, s21;
	[sflag:s23] =	ssyncset.done $0x0  }
0xa3: {  	[sflag:s23] =	ssyncadd.s32 s7;
	_ =	sdelay $0x1  }
0xa4: {  	s24 =	simm.s32 $0x1B8B  }
0xa5: {  	_ =	swait.ge [sflag:s24], $0x1  }
0xa6: {  	[sflag:s24] =	ssyncset.done $0x0  }
0xa7: {  	s25 =	simm.s32 $0x1B8E;
	[sflag:s24] =	ssyncadd.s32 $0xFFFFFFFF  }
0xa8: {  	s26 =	simm.s32 $execute0_lowered;
	[smem:$0x3FD2] =	sst s25  }
0xa9: {  	s7 =	sshll.u32 s26, $0x1;
	_ =	strace $0x80000046;
	[dreg:$0x1] =	wrdreg $0xFFFFFFFF  }
0xaa: {  	s28 =	simm.s32 $_size_execute0_lowered;
	s6 =	sadd.s32 s6, s7;
	[dreg:$0x0] =	wrdreg $0x0  }
0xab: {  	s7 =	sshll.u32 s28, $0x1;
	[dreg:$0x2] =	wrdreg s6  }
0xac: {  	[dreg:$0x3] =	wrdreg s7  }
0xad: {  	[dreg:$0x4] =	wrdreg $0xC0  }
0xae: {  	_ =	task [dreg:s10], $0x5FFFF  }
0xaf: {  	[dreg:$0x1] =	wrdreg $0xFFFFFFFF  }
0xb0: {  	[dreg:$0x0] =	wrdreg $0x60  }
0xb1: {  	[dreg:$0x2] =	wrdreg s2  }
0xb2: {  	[dreg:$0x3] =	wrdreg s19  }
0xb3: {  	[dreg:$0x4] =	wrdreg s4  }
0xb4: {  	[dreg:$0x5] =	wrdreg s5  }
0xb5: {  	[dreg:$0x6] =	wrdreg $0x54000  }
0xb6: {  	[dreg:$0x7] =	wrdreg $0x9  }
0xb7: {  	_ =	task.clear_ibuf [dreg:s10], $0x8FFFF;
	_ =	strace $0x90000046  }
0xb8: {  	s29 =	simm.s32 $0x9;
	_ =	strace $0x80000048  }
0xb9: {  	_ =	swait.ge [sflag:s29], $0x1  }
0xba: {  	[sflag:s29] =	ssyncadd.s32 $0xFFFFFFFF  }
0xbb: {  	_ =	strace $0x90000048  }
0xbc: {  	_ =	sfence  }
0xbd: {  	s30 =	sld [smem:$0x0];
	_ =	sdelay $0x2  }
0xbe: {  	s31 =	sshll.u32 s1, $0xD;
	s1 =	sshrl.u32 s1, $0x2  }
0xbf: {  	s3 =	sand.u32 $0x4000, s31;
	s1 =	sadd.s32 s1, s30  }
0xc0: {  	s0 =	sor.u32 s3, s0;
	s1 =	sshll.u32 s1, $0x11  }
0xc1: {  	s0 =	sor.u32 s1, s0  }
0xc2: {  	s0 =	sadd.s32 $0x8F2B, s0  }
0xc3: {  	[sflag:s0] =	ssyncadd.remote.s32 $0x1  }
0xc4: {  	_ =	sfence.sel $0xFFFF  }
0xc5: {  	[dreg:$0x0] =	wrdreg $0xFFFFFFFF;
	(pc) =	sbr.abs _section_cstart, $3  }
0xc6: {  	[dreg:$0x1] =	wrdreg $0xFFFFFFFF  }
0xc7: {  	_ =	task.clear_ibuf [dreg:s10], $0x2FFFF;
	_ =	strace $0x9FFFFFFF  }
0xc8: {  	(tm) =	ssettm $0x7FFFFFFF  }
0xc9: {  	_ =	shalt  }
tec
execute0_lowered:
.L_overlay_start_1:
0x0: {  	(tag) =	ssettag $0x1  }
0x1: {  	s0 =	rddreg [dreg:$0x0]  }
0x2: {  	s1 =	rddreg [dreg:$0x3]  }
0x3: {  	s4 =	rddreg [dreg:$0x4]  }
0x4: {  	s2 =	srdreg.scid;
	s10 =	stileid.u32;
	s5 =	simm.s32 $0x0  }
0x5: {  	s12 =	simm.s32 $0x7D;
	s14 =	simm.s32 $0xB80;
	s15 =	simm.s32 $0xC00  }
0x6: {  	s16 =	simm.s32 $0xC80;
	s17 =	simm.s32 $0xD00;
	s18 =	simm.s32 $0xD80  }
0x7: {  	s19 =	simm.s32 $0xE00;
	s20 =	simm.s32 $0xE80;
	s21 =	simm.s32 $0xF00  }
0x8: {  	s22 =	simm.s32 $0xF80;
	s23 =	simm.s32 $0x1000;
	s28 =	simm.s32 $0x1180  }
0x9: {  	s29 =	simm.s32 $0x1200;
	s30 =	simm.s32 $0x1280;
	s8 =	smul.u32 $0x500, s10  }
0xa: {  	s31 =	simm.s32 $0x1300;
	s2 =	sand.u32 $0x1, s2;
	s7 =	smul.u32 $0x50000, s10  }
0xb: {  	[smem:$0x7FF] =	sst s5;
	s0 =	sadd.s32 $0x5000, s0;
	s13 =	smul.u32 $0x2800, s10  }
0xc: {  	s26 =	sshll.u32 s10, $0x6;
	s3 =	ssub.s32 $0x2, s2;
	s25 =	smul.u32 $0x28000, s2  }
0xd: {  	_ =	strace $0x80000047;
	s2 =	smul.u32 $0x280, s2;
	s10 =	sor.u32 $0x1C02, s26  }
0xe: {  	s26 =	simm.s32 $0x1100;
	s6 =	sshrl.u32 s3, $0x1;
	s7 =	sshrl.u32 s7, $0x2  }
0xf: {  	s0 =	sadd.s32 s8, s0;
	s8 =	simm.s32 $0x2;
	s3 =	ssub.s32 s3, s6  }
0x10: {  	s11 =	sadd.s32 s7, s4;
	s1 =	sadd.s32 s1, s25;
	s7 =	simm.s32 $0x1400  }
0x11: {  	s9 =	sadd.s32 s2, s0;
	s25 =	simm.s32 $0x1080;
	s0 =	simm.s32 $0x1380  }
0x12: {  	s6 =	smax.u32 s3, $0x1;
	s11 =	sshrl.u32 s11, $0x3;
	s24 =	sadd.s32 s13, s1  }
0x13: {  	s13 =	simm.s32 $0xB00;
	s3 =	simm.s32 $0x1;
	s1 =	simm.s32 $0x0  }
.LBB2_1:
0x14: {  	s2 =	rddreg [dreg:$0x1]  }
0x15: {  	[tilespmem:s7], [sflag:$0x2] =	stream.linear.gather [hbm4b:s2+s5], $0x3E80, $0x38;
	[tilespmem:$0x19400] =	vst v63  }
0x16: {  	_ =	swait.ge [sflag:s8], $0x3E80  }
0x17: {  	[sflag:s8] =	ssyncset.done $0x0  }
0x18: {  	[sflag:s8] =	ssyncadd.s32 $0xFFFFC180  }
0x19: {  	[tilespmem:s5], [sflag:$0x2] =	stream.linear.gather [hbm4b:s9+s5], $0x1400, $0x38;
	[tilespmem:$0x19400] =	vst v63  }
0x1a: {  	_ =	swait.ge [sflag:s8], $0x1400  }
0x1b: {  	[sflag:s8] =	ssyncset.done $0x0  }
0x1c: {  	[sflag:s8] =	ssyncadd.s32 $0xFFFFEC00  }
0x1d: {  	s2 =	rddreg [dreg:$0x2]  }
0x1e: {  	[spmem:s11], [sflag:s10] =	dma.local [hbm:s2], $0x2800  }
0x1f: {  	_ =	swait.ge [sflag:s8], $0x2800  }
0x20: {  	[sflag:s8] =	ssyncset.done $0x0  }
0x21: {  	[sflag:s8] =	ssyncadd.s32 $0xFFFFD800  }
0x22: {  	[bflag:$0x0] =	sbarrier.arrive $0xFFFF  }
0x23: {  	[spmem:s4] =	stream.indirect.scatter.add.f32 [tilespmem:s7], [sflag:$0x1], $0x80, s5, s12, $0xb8;
	[tilespmem:$0x19400] =	vst v63  }
0x24: {  	s2 =	simm.s32 $0x80  }
0x25: {  	[spmem:s4] =	stream.indirect.scatter.add.f32 [tilespmem:s7], [sflag:$0x1], $0x80, s2, s12, $0xb8;
	[tilespmem:$0x19400] =	vst v63  }
0x26: {  	s2 =	simm.s32 $0x100  }
0x27: {  	[spmem:s4] =	stream.indirect.scatter.add.f32 [tilespmem:s7], [sflag:$0x1], $0x80, s2, s12, $0xb8;
	[tilespmem:$0x19400] =	vst v63  }
0x28: {  	s2 =	simm.s32 $0x180  }
0x29: {  	[spmem:s4] =	stream.indirect.scatter.add.f32 [tilespmem:s7], [sflag:$0x1], $0x80, s2, s12, $0xb8;
	[tilespmem:$0x19400] =	vst v63  }
0x2a: {  	s2 =	simm.s32 $0x200  }
0x2b: {  	[spmem:s4] =	stream.indirect.scatter.add.f32 [tilespmem:s7], [sflag:$0x1], $0x80, s2, s12, $0xb8;
	[tilespmem:$0x19400] =	vst v63  }
0x2c: {  	s2 =	simm.s32 $0x280  }
0x2d: {  	[spmem:s4] =	stream.indirect.scatter.add.f32 [tilespmem:s7], [sflag:$0x1], $0x80, s2, s12, $0xb8;
	[tilespmem:$0x19400] =	vst v63  }
0x2e: {  	s2 =	simm.s32 $0x300  }
0x2f: {  	[spmem:s4] =	stream.indirect.scatter.add.f32 [tilespmem:s7], [sflag:$0x1], $0x80, s2, s12, $0xb8;
	[tilespmem:$0x19400] =	vst v63  }
0x30: {  	s2 =	simm.s32 $0x380  }
0x31: {  	[spmem:s4] =	stream.indirect.scatter.add.f32 [tilespmem:s7], [sflag:$0x1], $0x80, s2, s12, $0xb8;
	[tilespmem:$0x19400] =	vst v63  }
0x32: {  	s2 =	simm.s32 $0x400  }
0x33: {  	[spmem:s4] =	stream.indirect.scatter.add.f32 [tilespmem:s7], [sflag:$0x1], $0x80, s2, s12, $0xb8;
	[tilespmem:$0x19400] =	vst v63  }
0x34: {  	s2 =	simm.s32 $0x480  }
0x35: {  	[spmem:s4] =	stream.indirect.scatter.add.f32 [tilespmem:s7], [sflag:$0x1], $0x80, s2, s12, $0xb8;
	[tilespmem:$0x19400] =	vst v63  }
0x36: {  	s2 =	simm.s32 $0x500  }
0x37: {  	[spmem:s4] =	stream.indirect.scatter.add.f32 [tilespmem:s7], [sflag:$0x1], $0x80, s2, s12, $0xb8;
	[tilespmem:$0x19400] =	vst v63  }
0x38: {  	s2 =	simm.s32 $0x580  }
0x39: {  	[spmem:s4] =	stream.indirect.scatter.add.f32 [tilespmem:s7], [sflag:$0x1], $0x80, s2, s12, $0xb8;
	[tilespmem:$0x19400] =	vst v63  }
0x3a: {  	s2 =	simm.s32 $0x600  }
0x3b: {  	[spmem:s4] =	stream.indirect.scatter.add.f32 [tilespmem:s7], [sflag:$0x1], $0x80, s2, s12, $0xb8;
	[tilespmem:$0x19400] =	vst v63  }
0x3c: {  	s2 =	simm.s32 $0x680  }
0x3d: {  	[spmem:s4] =	stream.indirect.scatter.add.f32 [tilespmem:s7], [sflag:$0x1], $0x80, s2, s12, $0xb8;
	[tilespmem:$0x19400] =	vst v63  }
0x3e: {  	s2 =	simm.s32 $0x700  }
0x3f: {  	[spmem:s4] =	stream.indirect.scatter.add.f32 [tilespmem:s7], [sflag:$0x1], $0x80, s2, s12, $0xb8;
	[tilespmem:$0x19400] =	vst v63  }
0x40: {  	s2 =	simm.s32 $0x780  }
0x41: {  	[spmem:s4] =	stream.indirect.scatter.add.f32 [tilespmem:s7], [sflag:$0x1], $0x80, s2, s12, $0xb8;
	[tilespmem:$0x19400] =	vst v63  }
0x42: {  	s2 =	simm.s32 $0x800  }
0x43: {  	[spmem:s4] =	stream.indirect.scatter.add.f32 [tilespmem:s7], [sflag:$0x1], $0x80, s2, s12, $0xb8;
	[tilespmem:$0x19400] =	vst v63  }
0x44: {  	s2 =	simm.s32 $0x880  }
0x45: {  	[spmem:s4] =	stream.indirect.scatter.add.f32 [tilespmem:s7], [sflag:$0x1], $0x80, s2, s12, $0xb8;
	[tilespmem:$0x19400] =	vst v63  }
0x46: {  	s2 =	simm.s32 $0x900  }
0x47: {  	[spmem:s4] =	stream.indirect.scatter.add.f32 [tilespmem:s7], [sflag:$0x1], $0x80, s2, s12, $0xb8;
	[tilespmem:$0x19400] =	vst v63  }
0x48: {  	s2 =	simm.s32 $0x980  }
0x49: {  	[spmem:s4] =	stream.indirect.scatter.add.f32 [tilespmem:s7], [sflag:$0x1], $0x80, s2, s12, $0xb8;
	[tilespmem:$0x19400] =	vst v63  }
0x4a: {  	s2 =	simm.s32 $0xA00  }
0x4b: {  	[spmem:s4] =	stream.indirect.scatter.add.f32 [tilespmem:s7], [sflag:$0x1], $0x80, s2, s12, $0xb8;
	[tilespmem:$0x19400] =	vst v63  }
0x4c: {  	s2 =	simm.s32 $0xA80  }
0x4d: {  	[spmem:s4] =	stream.indirect.scatter.add.f32 [tilespmem:s7], [sflag:$0x1], $0x80, s2, s12, $0xb8;
	[tilespmem:$0x19400] =	vst v63  }
0x4e: {  	_ = 	snop  }
0x4f: {  	[spmem:s4] =	stream.indirect.scatter.add.f32 [tilespmem:s7], [sflag:$0x1], $0x80, s13, s12, $0xb8;
	[tilespmem:$0x19400] =	vst v63  }
0x50: {  	_ = 	snop  }
0x51: {  	[spmem:s4] =	stream.indirect.scatter.add.f32 [tilespmem:s7], [sflag:$0x1], $0x80, s14, s12, $0xb8;
	[tilespmem:$0x19400] =	vst v63  }
0x52: {  	_ = 	snop  }
0x53: {  	[spmem:s4] =	stream.indirect.scatter.add.f32 [tilespmem:s7], [sflag:$0x1], $0x80, s15, s12, $0xb8;
	[tilespmem:$0x19400] =	vst v63  }
0x54: {  	_ = 	snop  }
0x55: {  	[spmem:s4] =	stream.indirect.scatter.add.f32 [tilespmem:s7], [sflag:$0x1], $0x80, s16, s12, $0xb8;
	[tilespmem:$0x19400] =	vst v63  }
0x56: {  	_ = 	snop  }
0x57: {  	[spmem:s4] =	stream.indirect.scatter.add.f32 [tilespmem:s7], [sflag:$0x1], $0x80, s17, s12, $0xb8;
	[tilespmem:$0x19400] =	vst v63  }
0x58: {  	_ = 	snop  }
0x59: {  	[spmem:s4] =	stream.indirect.scatter.add.f32 [tilespmem:s7], [sflag:$0x1], $0x80, s18, s12, $0xb8;
	[tilespmem:$0x19400] =	vst v63  }
0x5a: {  	_ = 	snop  }
0x5b: {  	[spmem:s4] =	stream.indirect.scatter.add.f32 [tilespmem:s7], [sflag:$0x1], $0x80, s19, s12, $0xb8;
	[tilespmem:$0x19400] =	vst v63  }
0x5c: {  	_ = 	snop  }
0x5d: {  	[spmem:s4] =	stream.indirect.scatter.add.f32 [tilespmem:s7], [sflag:$0x1], $0x80, s20, s12, $0xb8;
	[tilespmem:$0x19400] =	vst v63  }
0x5e: {  	_ = 	snop  }
0x5f: {  	[spmem:s4] =	stream.indirect.scatter.add.f32 [tilespmem:s7], [sflag:$0x1], $0x80, s21, s12, $0xb8;
	[tilespmem:$0x19400] =	vst v63  }
0x60: {  	_ = 	snop  }
0x61: {  	[spmem:s4] =	stream.indirect.scatter.add.f32 [tilespmem:s7], [sflag:$0x1], $0x80, s22, s12, $0xb8;
	[tilespmem:$0x19400] =	vst v63  }
0x62: {  	_ = 	snop  }
0x63: {  	[spmem:s4] =	stream.indirect.scatter.add.f32 [tilespmem:s7], [sflag:$0x1], $0x80, s23, s12, $0xb8;
	[tilespmem:$0x19400] =	vst v63  }
0x64: {  	_ = 	snop  }
0x65: {  	[spmem:s4] =	stream.indirect.scatter.add.f32 [tilespmem:s7], [sflag:$0x1], $0x80, s25, s12, $0xb8;
	[tilespmem:$0x19400] =	vst v63  }
0x66: {  	_ = 	snop  }
0x67: {  	[spmem:s4] =	stream.indirect.scatter.add.f32 [tilespmem:s7], [sflag:$0x1], $0x80, s26, s12, $0xb8;
	[tilespmem:$0x19400] =	vst v63  }
0x68: {  	_ = 	snop  }
0x69: {  	[spmem:s4] =	stream.indirect.scatter.add.f32 [tilespmem:s7], [sflag:$0x1], $0x80, s28, s12, $0xb8;
	[tilespmem:$0x19400] =	vst v63  }
0x6a: {  	_ = 	snop  }
0x6b: {  	[spmem:s4] =	stream.indirect.scatter.add.f32 [tilespmem:s7], [sflag:$0x1], $0x80, s29, s12, $0xb8;
	[tilespmem:$0x19400] =	vst v63  }
0x6c: {  	_ = 	snop  }
0x6d: {  	[spmem:s4] =	stream.indirect.scatter.add.f32 [tilespmem:s7], [sflag:$0x1], $0x80, s30, s12, $0xb8;
	[tilespmem:$0x19400] =	vst v63  }
0x6e: {  	_ = 	snop  }
0x6f: {  	[spmem:s4] =	stream.indirect.scatter.add.f32 [tilespmem:s7], [sflag:$0x1], $0x80, s31, s12, $0xb8;
	[tilespmem:$0x19400] =	vst v63  }
0x70: {  	_ = 	snop  }
0x71: {  	[spmem:s4] =	stream.indirect.scatter.add.f32 [tilespmem:s7], [sflag:$0x1], $0x80, s0, s12, $0xb8;
	[tilespmem:$0x19400] =	vst v63  }
0x72: {  	_ =	swait.ge [sflag:s3], $0x3E80  }
0x73: {  	s2 =	simm.s32 $0x27;
	[sflag:s3] =	ssyncset.done $0x0  }
.LBB2_2:
0x74: {  	p0 =	sne.s32 s2, $0x1;
	s2 =	sadd.s32 $0xFFFFFFFF, s2;
	[sflag:s3] =	ssyncadd.s32 $0xFFFFC180  }
.Ltmp0:
0x75: {  	(pc) =	sbr.rel @p0 .LBB2_2-.Ltmp0, $3  }
0x76: {  	_ =	sdelay $0x1  }
0x77: {  	_ =	swait.ge [sflag:s3], $0x3E80  }
0x78: {  	[sflag:s3] =	ssyncset.done $0x0  }
0x79: {  	s1 =	sadd.s32 $0x1, s1  }
0x7a: {  	[sflag:s3] =	ssyncadd.s32 $0xFFFFC180;
	p0 =	sne.s32 s1, s6  }
.Ltmp1:
0x7b: {  	[bflag:$0x0] =	sbarrier.arrive $0xFFFF;
	(pc) =	sbr.rel @p0 .LBB2_1-.Ltmp1, $4  }
0x7c: {  	[hbm:s24], [sflag:s10] =	dma.local [spmem:s11], $0x2800  }
0x7d: {  	_ =	swait.ge [sflag:s8], $0x2800  }
0x7e: {  	[sflag:s8] =	ssyncset.done $0x0  }
0x7f: {  	[sflag:s8] =	ssyncadd.s32 $0xFFFFD800  }
0x80: {  	_ =	sfence.sel $0x180000  }
0x81: {  	[bflag:$0x0] =	sbarrier.arrive $0xFFFF  }
0x82: {  	_ =	strace $0x90000047  }
0x83: {  	s0 =	stileid.u32;
	[bflag:$0x2] =	sbarrier.arrive $0xFFFF  }
0x84: {  	p0 =	sne.s32 s0, $0x0;
	s0 =	rddreg [dreg:$0x5]  }
0x85: {  	s0 =	sadd.s32 @!p0 $0x100000, s0  }
0x86: {  	[sflag:s0] =	ssyncadd.tile.s32 @!p0 $0x1;
	_ =	shalt  }
.Lfunc_end2:
_tile_overlayer_lowered:
.L_overlay_start_2:
0x87: {  	(tag) =	ssettag $0x2  }
0x88: {  	s0 =	rddreg [dreg:$0x0];
	s2 =	stileid.u32  }
0x89: {  	s1 =	rddreg [dreg:$0x1];
	p0 =	sne.s32 s2, $0x0  }
0x8a: {  	s3 =	rddreg [dreg:$0x2];
	[bflag:$0x3] =	sbarrier.arrive $0xFFFF;
	s2 =	simm.s32 @!p0 $0x1C02  }
0x8b: {  	[timem:s3], [sflag:s2] =	dma.local @!p0 [hbm:s0], s1  }
0x8c: {  	s0 =	simm.s32 @!p0 $0x2  }
0x8d: {  	_ =	swait.ge @!p0 [sflag:s0], s1  }
0x8e: {  	s1 =	ssub.s32 @!p0 $0x0, s1;
	[sflag:s0] =	ssyncset.done @!p0 $0x0  }
0x8f: {  	[sflag:s0] =	ssyncadd.s32 @!p0 s1  }
0x90: {  	[bflag:$0x3] =	sbarrier.arrive $0xFFFF  }
0x91: {  	_ =	shalt  }

</sc_bundles>
